<compile_context>
chip_gen: v7x
topology: tpu7x:2x2x1
jax: 0.10.2.dev20260603
libtpu: 0.0.44.dev20260713+nightly
codegen_flags: <defaults>
</compile_context>

<pallas_src>
import functools

import jax
import jax.numpy as jnp
from jax import lax
from jax.experimental import pallas as pl
from jax.experimental.pallas import tpu as pltpu
from jax.experimental.pallas import tpu_sc as plsc

WEIGHT_CENT = 0.001
TAU = 1.0
ETA = 2.0
LOG2E = 1.4426950408889634

TILE_N = 2048
SUB_N = 256


def _sc_gather(matrix, target):
    n_cls, feat = matrix.shape
    batch = target.shape[0]
    info = plsc.get_sparse_core_info()
    nw = info.num_cores * info.num_subcores
    b_per_w = batch // nw
    mesh = plsc.VectorSubcoreMesh(core_axis_name="c", subcore_axis_name="s")

    @functools.partial(
        pl.kernel,
        mesh=mesh,
        out_type=jax.ShapeDtypeStruct((batch, feat), jnp.float32),
        scratch_types=[
            pltpu.VMEM((b_per_w,), jnp.int32),
            pltpu.VMEM((b_per_w, feat), jnp.float32),
            pltpu.SemaphoreType.DMA,
        ],
    )
    def gather_kernel(table_hbm, idx_hbm, out_hbm, idx_v, rows_v, sem):
        wid = lax.axis_index("s") * info.num_cores + lax.axis_index("c")
        base = wid * b_per_w
        pltpu.sync_copy(idx_hbm.at[pl.ds(base, b_per_w)], idx_v)
        pltpu.async_copy(table_hbm.at[idx_v], rows_v, sem).wait()
        pltpu.sync_copy(rows_v, out_hbm.at[pl.ds(base, b_per_w)])

    return gather_kernel(matrix, target)


def _loss_kernel(m_ref, xf_ref, c_ref, out_ref, xn_s, cn_s):
    j = pl.program_id(0)
    batch = xf_ref.shape[0]

    @pl.when(j == 0)
    def _init():
        x = xf_ref[...]
        c = c_ref[...]
        xn_s[...] = (x * lax.rsqrt(jnp.sum(x * x, axis=1, keepdims=True))).astype(
            jnp.bfloat16
        )
        cn_s[...] = (c * lax.rsqrt(jnp.sum(c * c, axis=1, keepdims=True))).astype(
            jnp.bfloat16
        )
        icg = jnp.sum(jnp.square(x - c)) * (WEIGHT_CENT / batch)
        out_ref[...] = jnp.full((1, 1), icg, jnp.float32)

    m = m_ref[...]
    mn = (
        m * (lax.rsqrt(jnp.sum(m * m, axis=1, keepdims=True)) * (LOG2E / TAU))
    ).astype(jnp.bfloat16)
    dims = (((1,), (1,)), ((), ()))
    cn = cn_s[...]
    xn = xn_s[...]
    part = jnp.zeros((), jnp.float32)
    for t in range(TILE_N // SUB_N):
        mt = mn[t * SUB_N : (t + 1) * SUB_N, :]
        sa = lax.dot_general(cn, mt, dims, preferred_element_type=jnp.float32)
        sb = lax.dot_general(xn, mt, dims, preferred_element_type=jnp.float32)
        d = (jnp.exp2(sa.astype(jnp.bfloat16)) - jnp.exp2(sb.astype(jnp.bfloat16))).astype(jnp.float32)
        part = part + jnp.sum(d * d)
    out_ref[...] = out_ref[...] + jnp.full((1, 1), part * (ETA / batch), jnp.float32)


def _tc_loss(xf, centers, matrix):
    batch, feat = xf.shape
    n_cls = matrix.shape[0]
    grid = (n_cls // TILE_N,)
    out = pl.pallas_call(
        _loss_kernel,
        grid=grid,
        in_specs=[
            pl.BlockSpec((TILE_N, feat), lambda j: (j, 0)),
            pl.BlockSpec((batch, feat), lambda j: (0, 0)),
            pl.BlockSpec((batch, feat), lambda j: (0, 0)),
        ],
        out_specs=pl.BlockSpec((1, 1), lambda j: (0, 0)),
        out_shape=jax.ShapeDtypeStruct((1, 1), jnp.float32),
        scratch_shapes=[
            pltpu.VMEM((batch, feat), jnp.bfloat16),
            pltpu.VMEM((batch, feat), jnp.bfloat16),
        ],
    )(matrix, xf, centers)
    return out[0, 0]


def kernel(xf, target, epoch, matrix):
    centers = _sc_gather(matrix, target.astype(jnp.int32))
    return _tc_loss(xf, centers, matrix)

# --- scband reference (transcript-rebuilt; emitter-appended) ---
"""Pipeline reference for scband-group-loss-74844100100489 (READ-ONLY COPY).

The authoritative reference and input builder live on the scoring server;
editing this copy changes nothing except your own understanding.
"""

import jax, jax.numpy as jnp
import numpy as np

N_CLS = 4096
FEAT_DIM = 128
BATCH = 4096


def setup_inputs(seed: int = 0) -> dict:
    key = jax.random.key(seed)
    k1, k2, k3 = jax.random.split(key, 3)
    xf = jax.random.normal(k1, (BATCH, FEAT_DIM), dtype=jnp.float32)
    target = jax.random.randint(k2, (BATCH,), 0, N_CLS)
    matrix = jax.random.normal(k3, (N_CLS, FEAT_DIM), dtype=jnp.float32)
    epoch = 1
    return {"xf": xf, "target": target, "epoch": epoch, "matrix": matrix}


def reference(xf, target, epoch, matrix):
    # GroupLoss forward (epoch >= start_epoch path, ICG and IRCG both enabled)
    weight_cent = 0.001
    tau = 1.0
    eta = 2.0
    # ICG: center loss against class centers (gather rows of matrix by target)
    centers = jnp.take(matrix, target, axis=0)
    ICGL = jnp.mean(jnp.sum(jnp.square(xf - centers), axis=-1)) * weight_cent
    # IRCG: relational consistency between sample-to-center similarities and
    # the precomputed center-to-center graph weight matrix
    xf_norm = xf / jnp.linalg.norm(xf, axis=-1, keepdims=True)
    matrix_norm = matrix / jnp.linalg.norm(matrix, axis=-1, keepdims=True)
    graph_weight_matrix = jnp.matmul(matrix_norm, matrix_norm.T)
    samples_similarity_matrix = jnp.matmul(xf_norm, matrix_norm.T)
    similarity_matrix = jnp.take(graph_weight_matrix, target, axis=0)
    A = jnp.exp(similarity_matrix / tau)
    B = jnp.exp(samples_similarity_matrix / tau)
    euclidean_dist = jnp.mean(jnp.sum(jnp.square(A - B), axis=-1))
    IRCGL = euclidean_dist * eta
    return IRCGL + ICGL

if __name__ == "__main__":
    import jax
    _d = setup_inputs()
    print(jax.jit(kernel)(*tuple(_d.values())))

</pallas_src>

<mosaic_0001>
#map = affine_map<(d0, d1) -> (0, 0)>
#map1 = affine_map<(d0, d1) -> (0)>
module attributes {stable_mosaic.version = 14 : i64} {
  func.func @gather_kernel(%arg0: i32, %arg1: i32, %arg2: memref<4096x128xf32, #tpu.memory_space<hbm>>, %arg3: memref<4096xi32, #tpu.memory_space<hbm>>, %arg4: memref<4096x128xf32, #tpu.memory_space<hbm>>, %arg5: memref<128xi32, #tpu.memory_space<vmem>>, %arg6: memref<128x128xf32, #tpu.memory_space<vmem>>, %arg7: memref<!tpu.dma_semaphore, #tpu.memory_space<semaphore_mem>>) attributes {dimension_semantics = [#tpu.dimension_semantics<core_parallel>, #tpu.dimension_semantics<subcore_parallel>], iteration_bounds = array<i64: 2, 16>, scalar_prefetch = 0 : i64, scratch_operands = 3 : i64, tpu.core_type = #tpu.core_type<sc_vector_subcore>, window_params = [{transform_indices = #map}, {transform_indices = #map1}, {transform_indices = #map}]} {
    %mul3A = arith.constant 2 : i32
    %mul3A_0 = arith.muli %arg1, %mul3A : i32
    %add3A = arith.addi %mul3A_0, %arg0 : i32
    %mul3A_1 = arith.constant 128 : i32
    %mul3A_2 = arith.muli %add3A, %mul3A_1 : i32
    "tpu.region"() ({
      %run_scoped3A = tpu.sem_alloc : memref<!tpu.dma_semaphore, #tpu.memory_space<semaphore_mem>>
      %dma_start3A_7 = tpu.memref_slice %arg3[%mul3A_2] : memref<4096xi32, #tpu.memory_space<hbm>> -> memref<128xi32, #tpu.memory_space<hbm>>
      %dma_start3A_8 = tpu.memref_slice %arg3[%mul3A_2] : memref<4096xi32, #tpu.memory_space<hbm>> -> memref<128xi32, #tpu.memory_space<hbm>>
      tpu.enqueue_dma source(%dma_start3A_8 : memref<128xi32, #tpu.memory_space<hbm>>) target(%arg5 : memref<128xi32, #tpu.memory_space<vmem>>) target_semaphore(%run_scoped3A : memref<!tpu.dma_semaphore, #tpu.memory_space<semaphore_mem>>)
      %dma_wait3A_9 = tpu.memref_slice %arg3[%mul3A_2] : memref<4096xi32, #tpu.memory_space<hbm>> -> memref<128xi32, #tpu.memory_space<hbm>>
      %dma_wait3A_10 = tpu.memref_slice %arg3[%mul3A_2] : memref<4096xi32, #tpu.memory_space<hbm>> -> memref<128xi32, #tpu.memory_space<hbm>>
      tpu.wait_dma2 semaphore(%run_scoped3A : memref<!tpu.dma_semaphore, #tpu.memory_space<semaphore_mem>>) src(%dma_wait3A_10 : memref<128xi32, #tpu.memory_space<hbm>>) dst(%arg5 : memref<128xi32, #tpu.memory_space<vmem>>)
      tpu.yield
    }) : () -> ()
    %dma_start3A = arith.constant 0 : i32
    %dma_start3A_3 = arith.constant 0 : i32
    %dma_start3A_4 = tpu.memref_slice %arg2[%dma_start3A, %dma_start3A_3] : memref<4096x128xf32, #tpu.memory_space<hbm>> -> memref<4096x128xf32, #tpu.memory_space<hbm>>
    tpu.enqueue_indirect_dma source(%dma_start3A_4 : memref<4096x128xf32, #tpu.memory_space<hbm>>) target(%arg6 : memref<128x128xf32, #tpu.memory_space<vmem>>) offsets(%arg5 : memref<128xi32, #tpu.memory_space<vmem>>) semaphore(%arg7 : memref<!tpu.dma_semaphore, #tpu.memory_space<semaphore_mem>>)
    %dma_wait3A = arith.constant 0 : i32
    %dma_wait3A_5 = arith.constant 0 : i32
    %dma_wait3A_6 = tpu.memref_slice %arg2[%dma_wait3A, %dma_wait3A_5] : memref<4096x128xf32, #tpu.memory_space<hbm>> -> memref<4096x128xf32, #tpu.memory_space<hbm>>
    tpu.wait_indirect_dma semaphore(%arg7 : memref<!tpu.dma_semaphore, #tpu.memory_space<semaphore_mem>>) src(%dma_wait3A_6 : memref<4096x128xf32, #tpu.memory_space<hbm>>) dst(%arg6 : memref<128x128xf32, #tpu.memory_space<vmem>>)
    "tpu.region"() ({
      %run_scoped3A = tpu.sem_alloc : memref<!tpu.dma_semaphore, #tpu.memory_space<semaphore_mem>>
      %dma_start3A_7 = arith.constant 0 : i32
      %dma_start3A_8 = tpu.memref_slice %arg4[%mul3A_2, %dma_start3A_7] : memref<4096x128xf32, #tpu.memory_space<hbm>> -> memref<128x128xf32, #tpu.memory_space<hbm>>
      %dma_start3A_9 = arith.constant 0 : i32
      %dma_start3A_10 = tpu.memref_slice %arg4[%mul3A_2, %dma_start3A_9] : memref<4096x128xf32, #tpu.memory_space<hbm>> -> memref<128x128xf32, #tpu.memory_space<hbm>>
      tpu.enqueue_dma source(%arg6 : memref<128x128xf32, #tpu.memory_space<vmem>>) target(%dma_start3A_10 : memref<128x128xf32, #tpu.memory_space<hbm>>) target_semaphore(%run_scoped3A : memref<!tpu.dma_semaphore, #tpu.memory_space<semaphore_mem>>)
      %dma_wait3A_11 = arith.constant 0 : i32
      %dma_wait3A_12 = tpu.memref_slice %arg4[%mul3A_2, %dma_wait3A_11] : memref<4096x128xf32, #tpu.memory_space<hbm>> -> memref<128x128xf32, #tpu.memory_space<hbm>>
      %dma_wait3A_13 = arith.constant 0 : i32
      %dma_wait3A_14 = tpu.memref_slice %arg4[%mul3A_2, %dma_wait3A_13] : memref<4096x128xf32, #tpu.memory_space<hbm>> -> memref<128x128xf32, #tpu.memory_space<hbm>>
      tpu.wait_dma2 semaphore(%run_scoped3A : memref<!tpu.dma_semaphore, #tpu.memory_space<semaphore_mem>>) src(%arg6 : memref<128x128xf32, #tpu.memory_space<vmem>>) dst(%dma_wait3A_14 : memref<128x128xf32, #tpu.memory_space<hbm>>)
      tpu.yield
    }) : () -> ()
    return
  }
}

module attributes {stable_mosaic.version = 14 : i64} {
  func.func @_loss_kernel(%arg0: i32, %arg1: memref<2048x128xf32, #tpu.memory_space<vmem>>, %arg2: memref<4096x128xf32, #tpu.memory_space<vmem>>, %arg3: memref<4096x128xf32, #tpu.memory_space<vmem>>, %arg4: memref<1x1xf32, #tpu.memory_space<vmem>>, %arg5: memref<4096x128xbf16, #tpu.memory_space<vmem>>, %arg6: memref<4096x128xbf16, #tpu.memory_space<vmem>>) attributes {dimension_semantics = [#tpu.dimension_semantics<arbitrary>], iteration_bounds = array<i64: 2>, scalar_prefetch = 0 : i64, scratch_operands = 2 : i64, tpu.core_type = #tpu.core_type<tc>, window_params = [{transform_indices = @transform_0, window_bounds = array<i64: 2048, 128>}, {pipeline_mode = #tpu.pipeline_mode<synchronous>, transform_indices = @transform_1, window_bounds = array<i64: 4096, 128>}, {pipeline_mode = #tpu.pipeline_mode<synchronous>, transform_indices = @transform_2, window_bounds = array<i64: 4096, 128>}, {pipeline_mode = #tpu.pipeline_mode<synchronous>, transform_indices = @transform_3, window_bounds = array<i64: 1, 1>}]} {
    %eq3A = arith.constant 0 : i32
    %eq3A_0 = arith.cmpi eq, %arg0, %eq3A : i32
    %convert_element_type3A = arith.extui %eq3A_0 : i1 to i32
    %cond3A = arith.constant 0 : i32
    %cond3A_1 = arith.cmpi ne, %convert_element_type3A, %cond3A : i32
    scf.if %cond3A_1 {
      %get3A_166 = arith.constant 0 : index
      %get3A_167 = arith.constant 0 : index
      %get3A_168 = vector.load %arg2[%get3A_166, %get3A_167] : memref<4096x128xf32, #tpu.memory_space<vmem>>, vector<4096x128xf32>
      %get3A_169 = arith.constant 0 : index
      %get3A_170 = arith.constant 0 : index
      %get3A_171 = vector.load %arg3[%get3A_169, %get3A_170] : memref<4096x128xf32, #tpu.memory_space<vmem>>, vector<4096x128xf32>
      %mul3A_172 = arith.mulf %get3A_168, %get3A_168 : vector<4096x128xf32>
      %reduce_sum3A_173 = arith.constant dense<0.000000e+00> : vector<4096xf32>
      %reduce_sum3A_174 = vector.multi_reduction <add>, %mul3A_172, %reduce_sum3A_173 [1] : vector<4096x128xf32> to vector<4096xf32>
      %broadcast_in_dim3A_175 = vector.shape_cast %reduce_sum3A_174 : vector<4096xf32> to vector<4096x1xf32>
      %rsqrt3A_176 = math.rsqrt %broadcast_in_dim3A_175 : vector<4096x1xf32>
      %mul3A_177 = vector.broadcast %rsqrt3A_176 : vector<4096x1xf32> to vector<4096x128xf32>
      %mul3A_178 = arith.mulf %get3A_168, %mul3A_177 : vector<4096x128xf32>
      %convert_element_type3A_179 = arith.truncf %mul3A_178 : vector<4096x128xf32> to vector<4096x128xbf16>
      %swap3A_180 = arith.constant 0 : index
      %swap3A_181 = arith.constant 0 : index
      %swap3A_182 = vector.load %arg5[%swap3A_180, %swap3A_181] : memref<4096x128xbf16, #tpu.memory_space<vmem>>, vector<4096x128xbf16>
      tpu.vector_store %arg5[%swap3A_180, %swap3A_181], %convert_element_type3A_179 {strides = array<i32>} : memref<4096x128xbf16, #tpu.memory_space<vmem>>, vector<4096x128xbf16>,
      %mul3A_183 = arith.mulf %get3A_171, %get3A_171 : vector<4096x128xf32>
      %reduce_sum3A_184 = arith.constant dense<0.000000e+00> : vector<4096xf32>
      %reduce_sum3A_185 = vector.multi_reduction <add>, %mul3A_183, %reduce_sum3A_184 [1] : vector<4096x128xf32> to vector<4096xf32>
      %broadcast_in_dim3A_186 = vector.shape_cast %reduce_sum3A_185 : vector<4096xf32> to vector<4096x1xf32>
      %rsqrt3A_187 = math.rsqrt %broadcast_in_dim3A_186 : vector<4096x1xf32>
      %mul3A_188 = vector.broadcast %rsqrt3A_187 : vector<4096x1xf32> to vector<4096x128xf32>
      %mul3A_189 = arith.mulf %get3A_171, %mul3A_188 : vector<4096x128xf32>
      %convert_element_type3A_190 = arith.truncf %mul3A_189 : vector<4096x128xf32> to vector<4096x128xbf16>
      %swap3A_191 = arith.constant 0 : index
      %swap3A_192 = arith.constant 0 : index
      %swap3A_193 = vector.load %arg6[%swap3A_191, %swap3A_192] : memref<4096x128xbf16, #tpu.memory_space<vmem>>, vector<4096x128xbf16>
      tpu.vector_store %arg6[%swap3A_191, %swap3A_192], %convert_element_type3A_190 {strides = array<i32>} : memref<4096x128xbf16, #tpu.memory_space<vmem>>, vector<4096x128xbf16>,
      %sub3A_194 = arith.subf %get3A_168, %get3A_171 : vector<4096x128xf32>
      %square3A = arith.mulf %sub3A_194, %sub3A_194 : vector<4096x128xf32>
      %reduce_sum3A_195 = vector.shape_cast %square3A : vector<4096x128xf32> to vector<1x4096x128xf32>
      %reduce_sum3A_196 = arith.constant dense<0.000000e+00> : vector<1xf32>
      %reduce_sum3A_197 = vector.multi_reduction <add>, %reduce_sum3A_195, %reduce_sum3A_196 [1, 2] : vector<1x4096x128xf32> to vector<1xf32>
      %reduce_sum3A_198 = vector.shape_cast %reduce_sum3A_197 : vector<1xf32> to vector<1x1x1xf32>
      %reduce_sum3A_199 = vector.extract %reduce_sum3A_198[0, 0, 0] : f32 from vector<1x1x1xf32>
      %mul3A_200 = arith.constant 2.44140637E-7 : f32
      %mul3A_201 = arith.mulf %reduce_sum3A_199, %mul3A_200 : f32
      %broadcast_in_dim3A_202 = vector.broadcast %mul3A_201 : f32 to vector<1x1xf32>
      %swap3A_203 = arith.constant 0 : index
      %swap3A_204 = arith.constant 0 : index
      %swap3A_205 = vector.load %arg4[%swap3A_203, %swap3A_204] : memref<1x1xf32, #tpu.memory_space<vmem>>, vector<1x1xf32>
      tpu.vector_store %arg4[%swap3A_203, %swap3A_204], %broadcast_in_dim3A_202 {strides = array<i32>} : memref<1x1xf32, #tpu.memory_space<vmem>>, vector<1x1xf32>,
    } else {
    }
    %get3A = arith.constant 0 : index
    %get3A_2 = arith.constant 0 : index
    %get3A_3 = vector.load %arg1[%get3A, %get3A_2] : memref<2048x128xf32, #tpu.memory_space<vmem>>, vector<2048x128xf32>
    %mul3A = arith.mulf %get3A_3, %get3A_3 : vector<2048x128xf32>
    %reduce_sum3A = arith.constant dense<0.000000e+00> : vector<2048xf32>
    %reduce_sum3A_4 = vector.multi_reduction <add>, %mul3A, %reduce_sum3A [1] : vector<2048x128xf32> to vector<2048xf32>
    %broadcast_in_dim3A = vector.shape_cast %reduce_sum3A_4 : vector<2048xf32> to vector<2048x1xf32>
    %rsqrt3A = math.rsqrt %broadcast_in_dim3A : vector<2048x1xf32>
    %mul3A_5 = arith.constant 1.44269502 : f32
    %mul3A_6 = vector.broadcast %mul3A_5 : f32 to vector<2048x1xf32>
    %mul3A_7 = arith.mulf %rsqrt3A, %mul3A_6 : vector<2048x1xf32>
    %mul3A_8 = vector.broadcast %mul3A_7 : vector<2048x1xf32> to vector<2048x128xf32>
    %mul3A_9 = arith.mulf %get3A_3, %mul3A_8 : vector<2048x128xf32>
    %convert_element_type3A_10 = arith.truncf %mul3A_9 : vector<2048x128xf32> to vector<2048x128xbf16>
    %get3A_11 = arith.constant 0 : index
    %get3A_12 = arith.constant 0 : index
    %get3A_13 = vector.load %arg6[%get3A_11, %get3A_12] : memref<4096x128xbf16, #tpu.memory_space<vmem>>, vector<4096x128xbf16>
    %get3A_14 = arith.constant 0 : index
    %get3A_15 = arith.constant 0 : index
    %get3A_16 = vector.load %arg5[%get3A_14, %get3A_15] : memref<4096x128xbf16, #tpu.memory_space<vmem>>, vector<4096x128xbf16>
    %slice3A = vector.extract_strided_slice %convert_element_type3A_10 {offsets = [0, 0], sizes = [256, 128], strides = [1, 1]} : vector<2048x128xbf16> to vector<256x128xbf16>
    %dot_general3A = arith.constant dense<0.000000e+00> : vector<4096x256xf32>
    %dot_general3A_17 = tpu.matmul %get3A_13, %slice3A, %dot_general3A {dimension_numbers = #tpu.dot_dimension_numbers<[1], [1], [0], [0], [0, 0, 1, 0], [], []>, transpose_lhs_hint = false} : vector<4096x128xbf16>, vector<256x128xbf16>, vector<4096x256xf32> -> vector<4096x256xf32>
    %dot_general3A_18 = arith.constant dense<0.000000e+00> : vector<4096x256xf32>
    %dot_general3A_19 = tpu.matmul %get3A_16, %slice3A, %dot_general3A_18 {dimension_numbers = #tpu.dot_dimension_numbers<[1], [1], [0], [0], [0, 0, 1, 0], [], []>, transpose_lhs_hint = false} : vector<4096x128xbf16>, vector<256x128xbf16>, vector<4096x256xf32> -> vector<4096x256xf32>
    %convert_element_type3A_20 = arith.truncf %dot_general3A_17 : vector<4096x256xf32> to vector<4096x256xbf16>
    %exp23A = math.exp2 %convert_element_type3A_20 : vector<4096x256xbf16>
    %convert_element_type3A_21 = arith.truncf %dot_general3A_19 : vector<4096x256xf32> to vector<4096x256xbf16>
    %exp23A_22 = math.exp2 %convert_element_type3A_21 : vector<4096x256xbf16>
    %sub3A = arith.subf %exp23A, %exp23A_22 : vector<4096x256xbf16>
    %convert_element_type3A_23 = arith.extf %sub3A : vector<4096x256xbf16> to vector<4096x256xf32>
    %mul3A_24 = arith.mulf %convert_element_type3A_23, %convert_element_type3A_23 : vector<4096x256xf32>
    %reduce_sum3A_25 = vector.shape_cast %mul3A_24 : vector<4096x256xf32> to vector<1x4096x256xf32>
    %reduce_sum3A_26 = arith.constant dense<0.000000e+00> : vector<1xf32>
    %reduce_sum3A_27 = vector.multi_reduction <add>, %reduce_sum3A_25, %reduce_sum3A_26 [1, 2] : vector<1x4096x256xf32> to vector<1xf32>
    %reduce_sum3A_28 = vector.shape_cast %reduce_sum3A_27 : vector<1xf32> to vector<1x1x1xf32>
    %reduce_sum3A_29 = vector.extract %reduce_sum3A_28[0, 0, 0] : f32 from vector<1x1x1xf32>
    %add3A = arith.constant 0.000000e+00 : f32
    %add3A_30 = arith.addf %add3A, %reduce_sum3A_29 : f32
    %slice3A_31 = vector.extract_strided_slice %convert_element_type3A_10 {offsets = [256, 0], sizes = [256, 128], strides = [1, 1]} : vector<2048x128xbf16> to vector<256x128xbf16>
    %dot_general3A_32 = arith.constant dense<0.000000e+00> : vector<4096x256xf32>
    %dot_general3A_33 = tpu.matmul %get3A_13, %slice3A_31, %dot_general3A_32 {dimension_numbers = #tpu.dot_dimension_numbers<[1], [1], [0], [0], [0, 0, 1, 0], [], []>, transpose_lhs_hint = false} : vector<4096x128xbf16>, vector<256x128xbf16>, vector<4096x256xf32> -> vector<4096x256xf32>
    %dot_general3A_34 = arith.constant dense<0.000000e+00> : vector<4096x256xf32>
    %dot_general3A_35 = tpu.matmul %get3A_16, %slice3A_31, %dot_general3A_34 {dimension_numbers = #tpu.dot_dimension_numbers<[1], [1], [0], [0], [0, 0, 1, 0], [], []>, transpose_lhs_hint = false} : vector<4096x128xbf16>, vector<256x128xbf16>, vector<4096x256xf32> -> vector<4096x256xf32>
    %convert_element_type3A_36 = arith.truncf %dot_general3A_33 : vector<4096x256xf32> to vector<4096x256xbf16>
    %exp23A_37 = math.exp2 %convert_element_type3A_36 : vector<4096x256xbf16>
    %convert_element_type3A_38 = arith.truncf %dot_general3A_35 : vector<4096x256xf32> to vector<4096x256xbf16>
    %exp23A_39 = math.exp2 %convert_element_type3A_38 : vector<4096x256xbf16>
    %sub3A_40 = arith.subf %exp23A_37, %exp23A_39 : vector<4096x256xbf16>
    %convert_element_type3A_41 = arith.extf %sub3A_40 : vector<4096x256xbf16> to vector<4096x256xf32>
    %mul3A_42 = arith.mulf %convert_element_type3A_41, %convert_element_type3A_41 : vector<4096x256xf32>
    %reduce_sum3A_43 = vector.shape_cast %mul3A_42 : vector<4096x256xf32> to vector<1x4096x256xf32>
    %reduce_sum3A_44 = arith.constant dense<0.000000e+00> : vector<1xf32>
    %reduce_sum3A_45 = vector.multi_reduction <add>, %reduce_sum3A_43, %reduce_sum3A_44 [1, 2] : vector<1x4096x256xf32> to vector<1xf32>
    %reduce_sum3A_46 = vector.shape_cast %reduce_sum3A_45 : vector<1xf32> to vector<1x1x1xf32>
    %reduce_sum3A_47 = vector.extract %reduce_sum3A_46[0, 0, 0] : f32 from vector<1x1x1xf32>
    %add3A_48 = arith.addf %add3A_30, %reduce_sum3A_47 : f32
    %slice3A_49 = vector.extract_strided_slice %convert_element_type3A_10 {offsets = [512, 0], sizes = [256, 128], strides = [1, 1]} : vector<2048x128xbf16> to vector<256x128xbf16>
    %dot_general3A_50 = arith.constant dense<0.000000e+00> : vector<4096x256xf32>
    %dot_general3A_51 = tpu.matmul %get3A_13, %slice3A_49, %dot_general3A_50 {dimension_numbers = #tpu.dot_dimension_numbers<[1], [1], [0], [0], [0, 0, 1, 0], [], []>, transpose_lhs_hint = false} : vector<4096x128xbf16>, vector<256x128xbf16>, vector<4096x256xf32> -> vector<4096x256xf32>
    %dot_general3A_52 = arith.constant dense<0.000000e+00> : vector<4096x256xf32>
    %dot_general3A_53 = tpu.matmul %get3A_16, %slice3A_49, %dot_general3A_52 {dimension_numbers = #tpu.dot_dimension_numbers<[1], [1], [0], [0], [0, 0, 1, 0], [], []>, transpose_lhs_hint = false} : vector<4096x128xbf16>, vector<256x128xbf16>, vector<4096x256xf32> -> vector<4096x256xf32>
    %convert_element_type3A_54 = arith.truncf %dot_general3A_51 : vector<4096x256xf32> to vector<4096x256xbf16>
    %exp23A_55 = math.exp2 %convert_element_type3A_54 : vector<4096x256xbf16>
    %convert_element_type3A_56 = arith.truncf %dot_general3A_53 : vector<4096x256xf32> to vector<4096x256xbf16>
    %exp23A_57 = math.exp2 %convert_element_type3A_56 : vector<4096x256xbf16>
    %sub3A_58 = arith.subf %exp23A_55, %exp23A_57 : vector<4096x256xbf16>
    %convert_element_type3A_59 = arith.extf %sub3A_58 : vector<4096x256xbf16> to vector<4096x256xf32>
    %mul3A_60 = arith.mulf %convert_element_type3A_59, %convert_element_type3A_59 : vector<4096x256xf32>
    %reduce_sum3A_61 = vector.shape_cast %mul3A_60 : vector<4096x256xf32> to vector<1x4096x256xf32>
    %reduce_sum3A_62 = arith.constant dense<0.000000e+00> : vector<1xf32>
    %reduce_sum3A_63 = vector.multi_reduction <add>, %reduce_sum3A_61, %reduce_sum3A_62 [1, 2] : vector<1x4096x256xf32> to vector<1xf32>
    %reduce_sum3A_64 = vector.shape_cast %reduce_sum3A_63 : vector<1xf32> to vector<1x1x1xf32>
    %reduce_sum3A_65 = vector.extract %reduce_sum3A_64[0, 0, 0] : f32 from vector<1x1x1xf32>
    %add3A_66 = arith.addf %add3A_48, %reduce_sum3A_65 : f32
    %slice3A_67 = vector.extract_strided_slice %convert_element_type3A_10 {offsets = [768, 0], sizes = [256, 128], strides = [1, 1]} : vector<2048x128xbf16> to vector<256x128xbf16>
    %dot_general3A_68 = arith.constant dense<0.000000e+00> : vector<4096x256xf32>
    %dot_general3A_69 = tpu.matmul %get3A_13, %slice3A_67, %dot_general3A_68 {dimension_numbers = #tpu.dot_dimension_numbers<[1], [1], [0], [0], [0, 0, 1, 0], [], []>, transpose_lhs_hint = false} : vector<4096x128xbf16>, vector<256x128xbf16>, vector<4096x256xf32> -> vector<4096x256xf32>
    %dot_general3A_70 = arith.constant dense<0.000000e+00> : vector<4096x256xf32>
    %dot_general3A_71 = tpu.matmul %get3A_16, %slice3A_67, %dot_general3A_70 {dimension_numbers = #tpu.dot_dimension_numbers<[1], [1], [0], [0], [0, 0, 1, 0], [], []>, transpose_lhs_hint = false} : vector<4096x128xbf16>, vector<256x128xbf16>, vector<4096x256xf32> -> vector<4096x256xf32>
    %convert_element_type3A_72 = arith.truncf %dot_general3A_69 : vector<4096x256xf32> to vector<4096x256xbf16>
    %exp23A_73 = math.exp2 %convert_element_type3A_72 : vector<4096x256xbf16>
    %convert_element_type3A_74 = arith.truncf %dot_general3A_71 : vector<4096x256xf32> to vector<4096x256xbf16>
    %exp23A_75 = math.exp2 %convert_element_type3A_74 : vector<4096x256xbf16>
    %sub3A_76 = arith.subf %exp23A_73, %exp23A_75 : vector<4096x256xbf16>
    %convert_element_type3A_77 = arith.extf %sub3A_76 : vector<4096x256xbf16> to vector<4096x256xf32>
    %mul3A_78 = arith.mulf %convert_element_type3A_77, %convert_element_type3A_77 : vector<4096x256xf32>
    %reduce_sum3A_79 = vector.shape_cast %mul3A_78 : vector<4096x256xf32> to vector<1x4096x256xf32>
    %reduce_sum3A_80 = arith.constant dense<0.000000e+00> : vector<1xf32>
    %reduce_sum3A_81 = vector.multi_reduction <add>, %reduce_sum3A_79, %reduce_sum3A_80 [1, 2] : vector<1x4096x256xf32> to vector<1xf32>
    %reduce_sum3A_82 = vector.shape_cast %reduce_sum3A_81 : vector<1xf32> to vector<1x1x1xf32>
    %reduce_sum3A_83 = vector.extract %reduce_sum3A_82[0, 0, 0] : f32 from vector<1x1x1xf32>
    %add3A_84 = arith.addf %add3A_66, %reduce_sum3A_83 : f32
    %slice3A_85 = vector.extract_strided_slice %convert_element_type3A_10 {offsets = [1024, 0], sizes = [256, 128], strides = [1, 1]} : vector<2048x128xbf16> to vector<256x128xbf16>
    %dot_general3A_86 = arith.constant dense<0.000000e+00> : vector<4096x256xf32>
    %dot_general3A_87 = tpu.matmul %get3A_13, %slice3A_85, %dot_general3A_86 {dimension_numbers = #tpu.dot_dimension_numbers<[1], [1], [0], [0], [0, 0, 1, 0], [], []>, transpose_lhs_hint = false} : vector<4096x128xbf16>, vector<256x128xbf16>, vector<4096x256xf32> -> vector<4096x256xf32>
    %dot_general3A_88 = arith.constant dense<0.000000e+00> : vector<4096x256xf32>
    %dot_general3A_89 = tpu.matmul %get3A_16, %slice3A_85, %dot_general3A_88 {dimension_numbers = #tpu.dot_dimension_numbers<[1], [1], [0], [0], [0, 0, 1, 0], [], []>, transpose_lhs_hint = false} : vector<4096x128xbf16>, vector<256x128xbf16>, vector<4096x256xf32> -> vector<4096x256xf32>
    %convert_element_type3A_90 = arith.truncf %dot_general3A_87 : vector<4096x256xf32> to vector<4096x256xbf16>
    %exp23A_91 = math.exp2 %convert_element_type3A_90 : vector<4096x256xbf16>
    %convert_element_type3A_92 = arith.truncf %dot_general3A_89 : vector<4096x256xf32> to vector<4096x256xbf16>
    %exp23A_93 = math.exp2 %convert_element_type3A_92 : vector<4096x256xbf16>
    %sub3A_94 = arith.subf %exp23A_91, %exp23A_93 : vector<4096x256xbf16>
    %convert_element_type3A_95 = arith.extf %sub3A_94 : vector<4096x256xbf16> to vector<4096x256xf32>
    %mul3A_96 = arith.mulf %convert_element_type3A_95, %convert_element_type3A_95 : vector<4096x256xf32>
    %reduce_sum3A_97 = vector.shape_cast %mul3A_96 : vector<4096x256xf32> to vector<1x4096x256xf32>
    %reduce_sum3A_98 = arith.constant dense<0.000000e+00> : vector<1xf32>
    %reduce_sum3A_99 = vector.multi_reduction <add>, %reduce_sum3A_97, %reduce_sum3A_98 [1, 2] : vector<1x4096x256xf32> to vector<1xf32>
    %reduce_sum3A_100 = vector.shape_cast %reduce_sum3A_99 : vector<1xf32> to vector<1x1x1xf32>
    %reduce_sum3A_101 = vector.extract %reduce_sum3A_100[0, 0, 0] : f32 from vector<1x1x1xf32>
    %add3A_102 = arith.addf %add3A_84, %reduce_sum3A_101 : f32
    %slice3A_103 = vector.extract_strided_slice %convert_element_type3A_10 {offsets = [1280, 0], sizes = [256, 128], strides = [1, 1]} : vector<2048x128xbf16> to vector<256x128xbf16>
    %dot_general3A_104 = arith.constant dense<0.000000e+00> : vector<4096x256xf32>
    %dot_general3A_105 = tpu.matmul %get3A_13, %slice3A_103, %dot_general3A_104 {dimension_numbers = #tpu.dot_dimension_numbers<[1], [1], [0], [0], [0, 0, 1, 0], [], []>, transpose_lhs_hint = false} : vector<4096x128xbf16>, vector<256x128xbf16>, vector<4096x256xf32> -> vector<4096x256xf32>
    %dot_general3A_106 = arith.constant dense<0.000000e+00> : vector<4096x256xf32>
    %dot_general3A_107 = tpu.matmul %get3A_16, %slice3A_103, %dot_general3A_106 {dimension_numbers = #tpu.dot_dimension_numbers<[1], [1], [0], [0], [0, 0, 1, 0], [], []>, transpose_lhs_hint = false} : vector<4096x128xbf16>, vector<256x128xbf16>, vector<4096x256xf32> -> vector<4096x256xf32>
    %convert_element_type3A_108 = arith.truncf %dot_general3A_105 : vector<4096x256xf32> to vector<4096x256xbf16>
    %exp23A_109 = math.exp2 %convert_element_type3A_108 : vector<4096x256xbf16>
    %convert_element_type3A_110 = arith.truncf %dot_general3A_107 : vector<4096x256xf32> to vector<4096x256xbf16>
    %exp23A_111 = math.exp2 %convert_element_type3A_110 : vector<4096x256xbf16>
    %sub3A_112 = arith.subf %exp23A_109, %exp23A_111 : vector<4096x256xbf16>
    %convert_element_type3A_113 = arith.extf %sub3A_112 : vector<4096x256xbf16> to vector<4096x256xf32>
    %mul3A_114 = arith.mulf %convert_element_type3A_113, %convert_element_type3A_113 : vector<4096x256xf32>
    %reduce_sum3A_115 = vector.shape_cast %mul3A_114 : vector<4096x256xf32> to vector<1x4096x256xf32>
    %reduce_sum3A_116 = arith.constant dense<0.000000e+00> : vector<1xf32>
    %reduce_sum3A_117 = vector.multi_reduction <add>, %reduce_sum3A_115, %reduce_sum3A_116 [1, 2] : vector<1x4096x256xf32> to vector<1xf32>
    %reduce_sum3A_118 = vector.shape_cast %reduce_sum3A_117 : vector<1xf32> to vector<1x1x1xf32>
    %reduce_sum3A_119 = vector.extract %reduce_sum3A_118[0, 0, 0] : f32 from vector<1x1x1xf32>
    %add3A_120 = arith.addf %add3A_102, %reduce_sum3A_119 : f32
    %slice3A_121 = vector.extract_strided_slice %convert_element_type3A_10 {offsets = [1536, 0], sizes = [256, 128], strides = [1, 1]} : vector<2048x128xbf16> to vector<256x128xbf16>
    %dot_general3A_122 = arith.constant dense<0.000000e+00> : vector<4096x256xf32>
    %dot_general3A_123 = tpu.matmul %get3A_13, %slice3A_121, %dot_general3A_122 {dimension_numbers = #tpu.dot_dimension_numbers<[1], [1], [0], [0], [0, 0, 1, 0], [], []>, transpose_lhs_hint = false} : vector<4096x128xbf16>, vector<256x128xbf16>, vector<4096x256xf32> -> vector<4096x256xf32>
    %dot_general3A_124 = arith.constant dense<0.000000e+00> : vector<4096x256xf32>
    %dot_general3A_125 = tpu.matmul %get3A_16, %slice3A_121, %dot_general3A_124 {dimension_numbers = #tpu.dot_dimension_numbers<[1], [1], [0], [0], [0, 0, 1, 0], [], []>, transpose_lhs_hint = false} : vector<4096x128xbf16>, vector<256x128xbf16>, vector<4096x256xf32> -> vector<4096x256xf32>
    %convert_element_type3A_126 = arith.truncf %dot_general3A_123 : vector<4096x256xf32> to vector<4096x256xbf16>
    %exp23A_127 = math.exp2 %convert_element_type3A_126 : vector<4096x256xbf16>
    %convert_element_type3A_128 = arith.truncf %dot_general3A_125 : vector<4096x256xf32> to vector<4096x256xbf16>
    %exp23A_129 = math.exp2 %convert_element_type3A_128 : vector<4096x256xbf16>
    %sub3A_130 = arith.subf %exp23A_127, %exp23A_129 : vector<4096x256xbf16>
    %convert_element_type3A_131 = arith.extf %sub3A_130 : vector<4096x256xbf16> to vector<4096x256xf32>
    %mul3A_132 = arith.mulf %convert_element_type3A_131, %convert_element_type3A_131 : vector<4096x256xf32>
    %reduce_sum3A_133 = vector.shape_cast %mul3A_132 : vector<4096x256xf32> to vector<1x4096x256xf32>
    %reduce_sum3A_134 = arith.constant dense<0.000000e+00> : vector<1xf32>
    %reduce_sum3A_135 = vector.multi_reduction <add>, %reduce_sum3A_133, %reduce_sum3A_134 [1, 2] : vector<1x4096x256xf32> to vector<1xf32>
    %reduce_sum3A_136 = vector.shape_cast %reduce_sum3A_135 : vector<1xf32> to vector<1x1x1xf32>
    %reduce_sum3A_137 = vector.extract %reduce_sum3A_136[0, 0, 0] : f32 from vector<1x1x1xf32>
    %add3A_138 = arith.addf %add3A_120, %reduce_sum3A_137 : f32
    %slice3A_139 = vector.extract_strided_slice %convert_element_type3A_10 {offsets = [1792, 0], sizes = [256, 128], strides = [1, 1]} : vector<2048x128xbf16> to vector<256x128xbf16>
    %dot_general3A_140 = arith.constant dense<0.000000e+00> : vector<4096x256xf32>
    %dot_general3A_141 = tpu.matmul %get3A_13, %slice3A_139, %dot_general3A_140 {dimension_numbers = #tpu.dot_dimension_numbers<[1], [1], [0], [0], [0, 0, 1, 0], [], []>, transpose_lhs_hint = false} : vector<4096x128xbf16>, vector<256x128xbf16>, vector<4096x256xf32> -> vector<4096x256xf32>
    %dot_general3A_142 = arith.constant dense<0.000000e+00> : vector<4096x256xf32>
    %dot_general3A_143 = tpu.matmul %get3A_16, %slice3A_139, %dot_general3A_142 {dimension_numbers = #tpu.dot_dimension_numbers<[1], [1], [0], [0], [0, 0, 1, 0], [], []>, transpose_lhs_hint = false} : vector<4096x128xbf16>, vector<256x128xbf16>, vector<4096x256xf32> -> vector<4096x256xf32>
    %convert_element_type3A_144 = arith.truncf %dot_general3A_141 : vector<4096x256xf32> to vector<4096x256xbf16>
    %exp23A_145 = math.exp2 %convert_element_type3A_144 : vector<4096x256xbf16>
    %convert_element_type3A_146 = arith.truncf %dot_general3A_143 : vector<4096x256xf32> to vector<4096x256xbf16>
    %exp23A_147 = math.exp2 %convert_element_type3A_146 : vector<4096x256xbf16>
    %sub3A_148 = arith.subf %exp23A_145, %exp23A_147 : vector<4096x256xbf16>
    %convert_element_type3A_149 = arith.extf %sub3A_148 : vector<4096x256xbf16> to vector<4096x256xf32>
    %mul3A_150 = arith.mulf %convert_element_type3A_149, %convert_element_type3A_149 : vector<4096x256xf32>
    %reduce_sum3A_151 = vector.shape_cast %mul3A_150 : vector<4096x256xf32> to vector<1x4096x256xf32>
    %reduce_sum3A_152 = arith.constant dense<0.000000e+00> : vector<1xf32>
    %reduce_sum3A_153 = vector.multi_reduction <add>, %reduce_sum3A_151, %reduce_sum3A_152 [1, 2] : vector<1x4096x256xf32> to vector<1xf32>
    %reduce_sum3A_154 = vector.shape_cast %reduce_sum3A_153 : vector<1xf32> to vector<1x1x1xf32>
    %reduce_sum3A_155 = vector.extract %reduce_sum3A_154[0, 0, 0] : f32 from vector<1x1x1xf32>
    %add3A_156 = arith.addf %add3A_138, %reduce_sum3A_155 : f32
    %get3A_157 = arith.constant 0 : index
    %get3A_158 = arith.constant 0 : index
    %get3A_159 = vector.load %arg4[%get3A_157, %get3A_158] : memref<1x1xf32, #tpu.memory_space<vmem>>, vector<1x1xf32>
    %mul3A_160 = arith.constant 4.8828125E-4 : f32
    %mul3A_161 = arith.mulf %add3A_156, %mul3A_160 : f32
    %broadcast_in_dim3A_162 = vector.broadcast %mul3A_161 : f32 to vector<1x1xf32>
    %add3A_163 = arith.addf %get3A_159, %broadcast_in_dim3A_162 : vector<1x1xf32>
    %swap3A = arith.constant 0 : index
    %swap3A_164 = arith.constant 0 : index
    %swap3A_165 = vector.load %arg4[%swap3A, %swap3A_164] : memref<1x1xf32, #tpu.memory_space<vmem>>, vector<1x1xf32>
    tpu.vector_store %arg4[%swap3A, %swap3A_164], %add3A_163 {strides = array<i32>} : memref<1x1xf32, #tpu.memory_space<vmem>>, vector<1x1xf32>,
    return
  }
  func.func @transform_0(%arg0: i32) -> (i32, i32) {
    %c0_i32 = arith.constant 0 : i32
    %c0_i32_0 = arith.constant 0 : i32
    return %arg0, %c0_i32 : i32, i32
  }
  func.func @transform_1(%arg0: i32) -> (i32, i32) {
    %c0_i32 = arith.constant 0 : i32
    %c0_i32_0 = arith.constant 0 : i32
    %c0_i32_1 = arith.constant 0 : i32
    return %c0_i32, %c0_i32_0 : i32, i32
  }
  func.func @transform_2(%arg0: i32) -> (i32, i32) {
    %c0_i32 = arith.constant 0 : i32
    %c0_i32_0 = arith.constant 0 : i32
    %c0_i32_1 = arith.constant 0 : i32
    return %c0_i32, %c0_i32_0 : i32, i32
  }
  func.func @transform_3(%arg0: i32) -> (i32, i32) {
    %c0_i32 = arith.constant 0 : i32
    %c0_i32_0 = arith.constant 0 : i32
    %c0_i32_1 = arith.constant 0 : i32
    return %c0_i32, %c0_i32_0 : i32, i32
  }
}

</mosaic_0001>

<sc_bundles>
// kernel: kernel.4.cloned.1.call-start
scs
__scs_entry_jumppad:
0x0: {  	(pc) =	sbr.rel $0x88, $3  }
0x1: {  	(tag) =	ssettag $0x0;
	lr =	simm.s32 $0x1  }
0x2: {  	[smem:$0x3F9E] =	sst lr;
	_ =	strace $0xD0000000  }
0x3: {  	_ = 	snop  }
0x4: {  	_ = 	snop  }
0x5: {  	_ = 	snop  }
0x6: {  	_ = 	snop  }
0x7: {  	_ = 	snop  }
__scs_overlays_trampoline_lowered:
0x8: {  	[smem:$0x3FAD] =	sst s0  }
0x9: {  	[smem:$0x3FAE] =	sst s1  }
0xa: {  	[smem:$0x3FAF] =	sst s2  }
0xb: {  	[smem:$0x3FB0] =	sst s3  }
0xc: {  	[smem:$0x3FB1] =	sst s4  }
0xd: {  	[smem:$0x3FB2] =	sst s5  }
0xe: {  	[smem:$0x3FB3] =	sst s6  }
0xf: {  	[smem:$0x3FB4] =	sst s7  }
0x10: {  	[smem:$0x3FB5] =	sst s8  }
0x11: {  	[smem:$0x3FB6] =	sst s9;
	s0 =	simm.s32 @!p0 $0x0  }
0x12: {  	s1 =	sld [smem:$0x3F9C];
	s0 =	simm.s32 @p0 $0x1  }
0x13: {  	[smem:$0x3FB7] =	sst s0;
	s0 =	simm.s32 @!p1 $0x0  }
0x14: {  	s2 =	sld [smem:$0x3F9B];
	s0 =	simm.s32 @p1 $0x1  }
0x15: {  	[smem:$0x3FB8] =	sst s0;
	s0 =	simm.s32 @!p2 $0x0  }
0x16: {  	s3 =	sld [smem:$0x3FDB];
	s0 =	simm.s32 @p2 $0x1  }
0x17: {  	s4 =	simm.s32 $0x1BF5;
	[smem:$0x3FBA] =	sst s0  }
0x18: {  	s0 =	sld [smem:$0x3F9D];
	_ =	swait.ge [sflag:s4], $0x0  }
0x19: {  	s7 =	sld [smem:$0x3F9E]  }
0x1a: {  	s8 =	sadd.s32 $0xFFFFE003, lr  }
0x1b: {  	s9 =	sadd.s32 $0xFFFFFEF7, lr;
	s5 =	simm.s32 $0xFFFFFFFF;
	p2 =	slt.u32 s8, $0xFFFFF086  }
0x1c: {  	p1 =	slt.u32 s9, $0xF7A;
	s5 =	simm.s32 @!p2 $0x0  }
0x1d: {  	s5 =	simm.s32 @p1 $0x1;
	p0 =	seq.s32 s7, s2  }
0x1e: {  	s7 =	smul.u32 @!p0 $0xF7A, s2;
	p2 =	seq.s32 @!p0 s5, $0x0  }
0x1f: {  	s9 =	smul.u32 $0xF7A, s1;
	s8 =	simm.s32 @!p0 $0x1BF5;
	p2 =	por !p2, p0  }
0x20: {  	[sflag:s8] =	ssyncset.s32 @!p0 $0xFFFFF086;
	s6 =	sadd.s32 @!p0 s3, s7;
	s7 =	simm.s32 @!p0 $0x108  }
0x21: {  	s3 =	sadd.s32 s3, s9;
	s6 =	sadd.s32 @!p0 $0x88, s6;
	s7 =	simm.s32 @p2 $0x1082  }
0x22: {  	[simem:s7], [sflag:s8] =	dma.local @!p0 [hbm:s6], $0xF7A  }
0x23: {  	s9 =	sor.u32 $0xD0000000, s2;
	s6 =	simm.s32 $0x108;
	_ =	swait.ge @!p0 [sflag:s8], $0x0  }
0x24: {  	s3 =	sadd.s32 $0x88, s3;
	s6 =	simm.s32 @!p1 $0x1082;
	[sflag:s4] =	ssyncset.s32 $0xFFFFF086  }
0x25: {  	[simem:s6], [sflag:s4] =	dma.local [hbm:s3], $0xF7A  }
0x26: {  	[smem:$0x3F9E] =	sst s1;
	(tag) =	ssettag s2;
	_ =	strace s9  }
0x27: {  	s1 =	sld [smem:$0x3FAE]  }
0x28: {  	s2 =	sld [smem:$0x3FAF]  }
0x29: {  	s4 =	sld [smem:$0x3FB1]  }
0x2a: {  	p0 =	seq.s32 s5, $0x0;
	s5 =	sld [smem:$0x3FB2]  }
0x2b: {  	s6 =	sld [smem:$0x3FB3]  }
0x2c: {  	s7 =	sld [smem:$0x3FB4]  }
0x2d: {  	s3 =	simm.s32 $0x108;
	s8 =	sld [smem:$0x3FB5]  }
0x2e: {  	s3 =	simm.s32 @!p0 $0x1082;
	s9 =	sld [smem:$0x3FB6]  }
0x2f: {  	lr =	sadd.s32 s0, s3;
	s0 =	sld [smem:$0x3FAD]  }
0x30: {  	s3 =	sld [smem:$0x3FB0]  }
0x31: {  	[smem:$0x3FB9] =	sst s10  }
0x32: {  	s10 =	sld [smem:$0x3FB7];
	_ =	sdelay $0x3  }
0x33: {  	p0 =	seq.s32 s10, $0x1;
	s10 =	sld [smem:$0x3FB9];
	_ =	sdelay $0x3  }
0x34: {  	[smem:$0x3FB9] =	sst s10  }
0x35: {  	s10 =	sld [smem:$0x3FB8];
	_ =	sdelay $0x3  }
0x36: {  	p1 =	seq.s32 s10, $0x1;
	s10 =	sld [smem:$0x3FB9];
	_ =	sdelay $0x3  }
0x37: {  	[smem:$0x3FB9] =	sst s10  }
0x38: {  	s10 =	sld [smem:$0x3FBA]  }
0x39: {  	_ = 	snop;
	(pc) =	sbr.ind lr, $3  }
0x3a: {  	_ = 	snop  }
0x3b: {  	_ = 	snop  }
0x3c: {  	p2 =	seq.s32 s10, $0x1;
	s10 =	sld [smem:$0x3FB9]  }
0x3d: {  	_ =	shalt  }
0x3e: {  	_ =	shalt  }
0x3f: {  	_ =	shalt  }
0x40: {  	_ =	shalt  }
0x41: {  	_ =	shalt  }
0x42: {  	_ =	shalt  }
0x43: {  	_ =	shalt  }
0x44: {  	_ =	shalt  }
0x45: {  	_ =	shalt  }
0x46: {  	_ =	shalt  }
0x47: {  	_ =	shalt  }
0x48: {  	_ =	shalt  }
0x49: {  	_ =	shalt  }
0x4a: {  	_ =	shalt  }
0x4b: {  	_ =	shalt  }
0x4c: {  	_ =	shalt  }
0x4d: {  	_ =	shalt  }
0x4e: {  	_ =	shalt  }
0x4f: {  	_ =	shalt  }
0x50: {  	_ =	shalt  }
0x51: {  	_ =	shalt  }
0x52: {  	_ =	shalt  }
0x53: {  	_ =	shalt  }
0x54: {  	_ =	shalt  }
0x55: {  	_ =	shalt  }
0x56: {  	_ =	shalt  }
0x57: {  	_ =	shalt  }
0x58: {  	_ =	shalt  }
0x59: {  	_ =	shalt  }
0x5a: {  	_ =	shalt  }
0x5b: {  	_ =	shalt  }
0x5c: {  	_ =	shalt  }
0x5d: {  	_ =	shalt  }
0x5e: {  	_ =	shalt  }
0x5f: {  	_ =	shalt  }
0x60: {  	_ =	shalt  }
0x61: {  	_ =	shalt  }
0x62: {  	_ =	shalt  }
0x63: {  	_ =	shalt  }
0x64: {  	_ =	shalt  }
0x65: {  	_ =	shalt  }
0x66: {  	_ =	shalt  }
0x67: {  	_ =	shalt  }
0x68: {  	_ =	shalt  }
0x69: {  	_ =	shalt  }
0x6a: {  	_ =	shalt  }
0x6b: {  	_ =	shalt  }
0x6c: {  	_ =	shalt  }
0x6d: {  	_ =	shalt  }
0x6e: {  	_ =	shalt  }
0x6f: {  	_ =	shalt  }
0x70: {  	_ =	shalt  }
0x71: {  	_ =	shalt  }
0x72: {  	_ =	shalt  }
0x73: {  	_ =	shalt  }
0x74: {  	_ =	shalt  }
0x75: {  	_ =	shalt  }
0x76: {  	_ =	shalt  }
0x77: {  	_ =	shalt  }
0x78: {  	_ =	shalt  }
0x79: {  	_ =	shalt  }
0x7a: {  	_ =	shalt  }
0x7b: {  	_ =	shalt  }
0x7c: {  	_ =	shalt  }
0x7d: {  	_ =	shalt  }
0x7e: {  	_ =	shalt  }
0x7f: {  	_ =	shalt  }
0x80: {  	_ =	shalt  }
0x81: {  	_ =	shalt  }
0x82: {  	_ =	shalt  }
0x83: {  	_ =	shalt  }
0x84: {  	_ =	shalt  }
0x85: {  	_ =	shalt  }
0x86: {  	_ =	shalt  }
0x87: {  	_ =	shalt  }
.Lfunc_end0:
.L_simem_size_0:
called_computation_lowered:
.L_overlay_start_0:
0x88: {  	s2 =	sld [smem:$0x3FD9]  }
0x89: {  	s3 =	sld [smem:$0x3FFE];
	_ =	sdelay $0x1  }
0x8a: {  	s1 =	srdreg.scid  }
0x8b: {  	s0 =	sand.u32 $0x1, s1  }
0x8c: {  	s17 =	sshll.u32 s0, $0xA;
	s2 =	sadd.s32 s3, s2  }
0x8d: {  	s2 =	sadd.s32 s2, s17  }
0x8e: {  	[smem:$0x3FC5] =	sst s2  }
0x8f: {  	_ = 	snop  }
0x90: {  	s2 =	sld [smem:$0x3FC8]  }
0x91: {  	s18 =	sld [smem:$0x3FC7];
	(tm) =	ssettm $0x1  }
0x92: {  	s4 =	sld [smem:$0x3FFB];
	_ =	sdelay $0x3  }
0x93: {  	_ =	strace s4  }
0x94: {  	s4 =	sld [smem:$0x3FFC];
	_ =	sdelay $0x3  }
0x95: {  	_ =	strace s4  }
0x96: {  	s4 =	sld [smem:$0x3FFD];
	_ =	sdelay $0x3  }
0x97: {  	_ =	strace s4  }
0x98: {  	_ =	strace $0x8FFFFFFF  }
0x99: {  	s19 =	sld [smem:$0x3FDB];
	_ =	sdelay $0x1  }
0x9a: {  	s5 =	simm.s32 $_scs_section_size  }
0x9b: {  	s6 =	simm.s32 $_size__tile_overlayer_lowered;
	s7 =	simm.s32 $_tile_overlayer_lowered  }
0x9c: {  	s22 =	simm.s32 $0x1BFF;
	s21 =	sshll.u32 s7, $0x1;
	s4 =	sadd.s32 s5, s19  }
0x9d: {  	s8 =	simm.s32 $0x0;
	s20 =	sshll.u32 s6, $0x1;
	s6 =	sadd.s32 s21, s4  }
0x9e: {  	[timem:s8], [sflag:s22] =	dma.local [hbm:s6], s20  }
0x9f: {  	_ =	swait.ge [sflag:s22], s20  }
0xa0: {  	s5 =	ssub.s32 $0x0, s20;
	[sflag:s22] =	ssyncset.done $0x0  }
0xa1: {  	[sflag:s22] =	ssyncadd.s32 s5;
	_ =	sdelay $0x1  }
0xa2: {  	s23 =	simm.s32 $0x1B8B  }
0xa3: {  	_ =	swait.ge [sflag:s23], $0x1  }
0xa4: {  	[sflag:s23] =	ssyncset.done $0x0  }
0xa5: {  	s25 =	simm.s32 $0x1B8E;
	s24 =	sld [smem:$0x3FFE];
	[sflag:s23] =	ssyncadd.s32 $0xFFFFFFFF  }
0xa6: {  	s26 =	simm.s32 $execute0_lowered;
	[smem:$0x3FD2] =	sst s25  }
0xa7: {  	s6 =	sshll.u32 s26, $0x1;
	_ =	strace $0x80000046;
	[dreg:$0x1] =	wrdreg $0xFFFFFFFF  }
0xa8: {  	s28 =	simm.s32 $_size_execute0_lowered;
	s4 =	sadd.s32 s4, s6;
	[dreg:$0x0] =	wrdreg $0x0  }
0xa9: {  	s6 =	sshll.u32 s28, $0x1;
	[dreg:$0x2] =	wrdreg s4  }
0xaa: {  	[dreg:$0x3] =	wrdreg s6  }
0xab: {  	[dreg:$0x4] =	wrdreg $0xC0  }
0xac: {  	_ =	task [dreg:s8], $0x5FFFF  }
0xad: {  	[dreg:$0x1] =	wrdreg $0xFFFFFFFF  }
0xae: {  	[dreg:$0x0] =	wrdreg $0x60  }
0xaf: {  	[dreg:$0x2] =	wrdreg s18  }
0xb0: {  	[dreg:$0x3] =	wrdreg s2  }
0xb1: {  	[dreg:$0x4] =	wrdreg s24  }
0xb2: {  	[dreg:$0x5] =	wrdreg $0x9  }
0xb3: {  	_ =	task.clear_ibuf [dreg:s8], $0x6FFFF;
	_ =	strace $0x90000046  }
0xb4: {  	s29 =	simm.s32 $0x9;
	_ =	strace $0x80000048  }
0xb5: {  	_ =	swait.ge [sflag:s29], $0x1  }
0xb6: {  	[sflag:s29] =	ssyncadd.s32 $0xFFFFFFFF  }
0xb7: {  	_ =	strace $0x90000048  }
0xb8: {  	_ =	sfence  }
0xb9: {  	s30 =	sld [smem:$0x0];
	_ =	sdelay $0x2  }
0xba: {  	s31 =	sshll.u32 s1, $0xD;
	s1 =	sshrl.u32 s1, $0x2  }
0xbb: {  	s3 =	sand.u32 $0x4000, s31;
	s1 =	sadd.s32 s1, s30  }
0xbc: {  	s0 =	sor.u32 s3, s0;
	s1 =	sshll.u32 s1, $0x11  }
0xbd: {  	s0 =	sor.u32 s1, s0  }
0xbe: {  	s0 =	sadd.s32 $0x8F2B, s0  }
0xbf: {  	[sflag:s0] =	ssyncadd.remote.s32 $0x1  }
0xc0: {  	_ =	sfence.sel $0xFFFF  }
0xc1: {  	[dreg:$0x0] =	wrdreg $0xFFFFFFFF;
	(pc) =	sbr.abs _section_cstart, $3  }
0xc2: {  	[dreg:$0x1] =	wrdreg $0xFFFFFFFF  }
0xc3: {  	_ =	task.clear_ibuf [dreg:s8], $0x2FFFF;
	_ =	strace $0x9FFFFFFF  }
0xc4: {  	(tm) =	ssettm $0x7FFFFFFF  }
0xc5: {  	_ =	shalt  }
tec
execute0_lowered:
.L_overlay_start_1:
0x0: {  	(tag) =	ssettag $0x1  }
0x1: {  	s1 =	rddreg [dreg:$0x0];
	s2 =	srdreg.scid  }
0x2: {  	s4 =	rddreg [dreg:$0x1];
	s0 =	stileid.u32  }
0x3: {  	s8 =	rddreg [dreg:$0x2];
	s3 =	simm.s32 $0x0;
	s6 =	sand.u32 $0x1, s2  }
0x4: {  	s5 =	sshll.u32 s0, $0x8;
	s2 =	rddreg [dreg:$0x3];
	s7 =	sshll.u32 s6, $0x7  }
0x5: {  	[smem:$0x7FF] =	sst s3;
	s9 =	sor.u32 s7, s5  }
0x6: {  	_ =	strace $0x80000047;
	s10 =	ssub.s32 $0x2, s6;
	s5 =	sshrl.u32 s9, $0x3  }
0x7: {  	s6 =	simm.s32 $0x80;
	s5 =	sadd.s32 s4, s5;
	s4 =	simm.s32 $0x2  }
0x8: {  	[tilespmem:s3], [sflag:$0x2] =	stream.linear.gather [hbm4b:s5+s3], $0x80, $0x38;
	[tilespmem:$0x4080] =	vst v63  }
0x9: {  	s7 =	simm.s32 $0x1;
	s11 =	sshrl.u32 s10, $0x1;
	_ =	swait.ge [sflag:s4], $0x80  }
0xa: {  	s9 =	sshll.u32 s9, $0x4;
	s31 =	ssub.s32 s10, s11;
	[sflag:s4] =	ssyncset.done $0x0  }
0xb: {  	s8 =	sadd.s32 s9, s8;
	s9 =	smax.u32 s31, $0x1;
	[sflag:s4] =	ssyncadd.s32 $0xFFFFFF80  }
0xc: {  	[tilespmem:s6], [sflag:$0x1] =	stream.indirect.gather [hbm4b:s1+s6], $0x80, s3, s6, $0xb8;
	[tilespmem:$0x4080] =	vst v63  }
0xd: {  	p0 =	sne.s32 s9, $0x1;
	_ =	swait.ge [sflag:s7], $0x4000  }
.Ltmp0:
0xe: {  	[sflag:s7] =	ssyncset.done $0x0;
	(pc) =	sbr.rel @!p0 .LBB2_2-.Ltmp0, $4  }
0xf: {  	s8 =	sadd.s32 $0xA00, s8;
	[sflag:s7] =	ssyncadd.s32 $0xFFFFC000  }
0x10: {  	[hbm4b:s8+s3] =	stream.linear.scatter [tilespmem:s6], [sflag:$0x2], $0x4000, $0x38;
	[tilespmem:$0x4080] =	vst v63  }
0x11: {  	_ =	swait.ge [sflag:s4], $0x4000  }
0x12: {  	s9 =	sadd.s32 $0xFFFFFFFF, s9;
	[sflag:s4] =	ssyncset.done $0x0  }
.LBB2_1:
0x13: {  	p0 =	sne.s32 s9, $0x1;
	s9 =	sadd.s32 $0xFFFFFFFF, s9;
	[sflag:s4] =	ssyncadd.s32 $0xFFFFC000  }
0x14: {  	[tilespmem:s3], [sflag:$0x2] =	stream.linear.gather [hbm4b:s5+s3], $0x80, $0x38;
	[tilespmem:$0x4080] =	vst v63  }
0x15: {  	_ =	swait.ge [sflag:s4], $0x80  }
0x16: {  	[sflag:s4] =	ssyncset.done $0x0  }
0x17: {  	[sflag:s4] =	ssyncadd.s32 $0xFFFFFF80  }
0x18: {  	[tilespmem:s6], [sflag:$0x1] =	stream.indirect.gather [hbm4b:s1+s6], $0x80, s3, s6, $0xb8;
	[tilespmem:$0x4080] =	vst v63  }
0x19: {  	_ =	swait.ge [sflag:s7], $0x4000  }
.Ltmp1:
0x1a: {  	[sflag:s7] =	ssyncset.done $0x0;
	(pc) =	sbr.rel @p0 .LBB2_1-.Ltmp1, $4  }
0x1b: {  	[sflag:s7] =	ssyncadd.s32 $0xFFFFC000  }
0x1c: {  	[hbm4b:s8+s3] =	stream.linear.scatter [tilespmem:s6], [sflag:$0x2], $0x4000, $0x38;
	[tilespmem:$0x4080] =	vst v63  }
0x1d: {  	_ =	swait.ge [sflag:s4], $0x4000  }
0x1e: {  	[sflag:s4] =	ssyncset.done $0x0  }
.LBB2_2:
0x1f: {  	[sflag:s4] =	ssyncadd.s32 $0xFFFFC000  }
0x20: {  	_ =	sfence.sel $0x180000  }
0x21: {  	[bflag:$0x0] =	sbarrier.arrive $0xFFFF  }
0x22: {  	p0 =	sne.s32 s0, $0x0;
	_ =	strace $0x90000047  }
0x23: {  	s0 =	sadd.s32 @!p0 $0x100000, s2;
	[bflag:$0x2] =	sbarrier.arrive $0xFFFF  }
0x24: {  	[sflag:s0] =	ssyncadd.tile.s32 @!p0 $0x1;
	_ =	shalt  }
.Lfunc_end2:
_tile_overlayer_lowered:
.L_overlay_start_2:
0x25: {  	(tag) =	ssettag $0x2  }
0x26: {  	s0 =	rddreg [dreg:$0x0];
	s2 =	stileid.u32  }
0x27: {  	s1 =	rddreg [dreg:$0x1];
	p0 =	sne.s32 s2, $0x0  }
0x28: {  	s3 =	rddreg [dreg:$0x2];
	[bflag:$0x3] =	sbarrier.arrive $0xFFFF;
	s2 =	simm.s32 @!p0 $0x1C02  }
0x29: {  	[timem:s3], [sflag:s2] =	dma.local @!p0 [hbm:s0], s1  }
0x2a: {  	s0 =	simm.s32 @!p0 $0x2  }
0x2b: {  	_ =	swait.ge @!p0 [sflag:s0], s1  }
0x2c: {  	s1 =	ssub.s32 @!p0 $0x0, s1;
	[sflag:s0] =	ssyncset.done @!p0 $0x0  }
0x2d: {  	[sflag:s0] =	ssyncadd.s32 @!p0 s1  }
0x2e: {  	[bflag:$0x3] =	sbarrier.arrive $0xFFFF  }
0x2f: {  	_ =	shalt  }

</sc_bundles>
